<compile_context>
chip_gen: v7x
topology: tpu7x:2x2x1
jax: 0.10.2.dev20260603
libtpu: 0.0.44.dev20260713+nightly
codegen_flags: <defaults>
</compile_context>

<pallas_src>
import functools

import jax
import jax.numpy as jnp
import numpy as np
from jax import lax
from jax.experimental import pallas as pl
from jax.experimental.pallas import tpu as pltpu
from jax.experimental.pallas import tpu_sc as plsc

STEP = 200
DIM = 16
BATCH = 1024

NC = 2
NS = 16
NW = NC * NS

SEQ_PER_W = BATCH // NW
CHUNKS = ((0, 128), (128, 72))


def _pe_table() -> np.ndarray:
    pos = np.arange(STEP)[:, None]
    with np.errstate(divide="ignore", invalid="ignore", over="ignore"):
        pe = pos / (np.power(1000, 2 * np.arange(DIM, dtype=np.int64))[None, :] / DIM)
        pe[:, 0::2] = np.sin(pe[:, 0::2])
        pe[:, 0::1] = np.cos(pe[:, 0::1])
    return pe.astype(np.float32)


_PE_NP = _pe_table()


def _sc_body(x_hbm, table_hbm, pe_hbm, out_hbm, idx_v, pe_v, rows_v, sem, psem):
    wid = lax.axis_index("s") * NC + lax.axis_index("c")
    base = wid * SEQ_PER_W

    pltpu.sync_copy(x_hbm.at[pl.ds(base, SEQ_PER_W)], idx_v)
    pltpu.sync_copy(pe_hbm, pe_v)

    def _prefill(p, carry):
        v = pe_v[p]

        def _store(s, c):
            rows_v[s, p] = v
            return c

        return lax.fori_loop(0, SEQ_PER_W, _store, carry)

    lax.fori_loop(0, STEP, _prefill, 0)

    def _issue(s, carry):
        for off, ln in CHUNKS:
            pltpu.async_copy(
                table_hbm.at[idx_v.at[s, pl.ds(off, ln)]],
                rows_v.at[s, pl.ds(off, ln)],
                sem,
                add=True,
            )
        return carry

    lax.fori_loop(0, SEQ_PER_W, _issue, 0)
    pltpu.make_async_copy(out_hbm.at[pl.ds(base, SEQ_PER_W)], rows_v, sem).wait()

    pltpu.sync_copy(rows_v, out_hbm.at[pl.ds(base, SEQ_PER_W)])


@functools.partial(jax.jit, static_argnames=())
def _sc_gather_pe(x, table, pe):
    mesh = plsc.VectorSubcoreMesh(core_axis_name="c", subcore_axis_name="s")
    call = pl.kernel(
        _sc_body,
        mesh=mesh,
        out_type=jax.ShapeDtypeStruct((BATCH, STEP, DIM), jnp.float32),
        scratch_types=[
            pltpu.VMEM((SEQ_PER_W, STEP), jnp.int32),
            pltpu.VMEM((STEP, DIM), jnp.float32),
            pltpu.VMEM((SEQ_PER_W, STEP, DIM), jnp.float32),
            pltpu.SemaphoreType.DMA,
            pltpu.SemaphoreType.DMA,
        ],
        compiler_params=pltpu.CompilerParams(use_tc_tiling_on_sc=False),
    )
    return call(x, table, pe)


def kernel(x, table):
    pe = jnp.asarray(_PE_NP)
    return _sc_gather_pe(x.astype(jnp.int32), table, pe)

# --- scband reference (transcript-rebuilt; emitter-appended) ---
"""Pipeline reference for scband-position-embedding-89575837926052 (READ-ONLY COPY).

The authoritative reference and input builder live on the scoring server;
editing this copy changes nothing except your own understanding.
"""

import jax, jax.numpy as jnp
import numpy as np

STEP = 200
DIM = 16
N_VOCAB = 1000000
BATCH = 1024


def _make_pe(step, dim):
    # Faithful reproduction of the original numpy computation, including the
    # integer-power overflow (int64 wraparound) and the cos-overwrites-sin bug.
    pos = np.arange(step)[:, None]
    with np.errstate(divide='ignore', invalid='ignore', over='ignore'):
        pe = pos / (np.power(1000, 2 * np.arange(dim, dtype=np.int64))[None, :] / dim)
        pe[:, 0::2] = np.sin(pe[:, 0::2])
        pe[:, 0::1] = np.cos(pe[:, 0::1])
    pe = pe[None, :, :]
    return jnp.asarray(pe, dtype=jnp.float32)


def setup_inputs(seed: int = 0) -> dict:
    key = jax.random.key(seed)
    k1, k2 = jax.random.split(key)
    x = jax.random.randint(k1, (BATCH, STEP), 0, N_VOCAB)
    # Embedding table, initializer random_normal(mean=0, stddev=0.1)
    table = jax.random.normal(k2, (N_VOCAB, DIM), dtype=jnp.float32) * 0.1
    return {"x": x, "table": table}


def reference(x, table):
    pe = _make_pe(STEP, DIM)  # [1, step, dim] constant
    emb = jnp.take(table, x, axis=0)  # [B, step, dim] gather
    return emb + pe

if __name__ == "__main__":
    import jax
    _d = setup_inputs()
    print(jax.jit(kernel)(*tuple(_d.values())))

</pallas_src>

<mosaic_0001>
#map = affine_map<(d0, d1) -> (0, 0)>
#map1 = affine_map<(d0, d1) -> (0, 0, 0)>
module attributes {stable_mosaic.version = 14 : i64} {
  func.func @_sc_body(%arg0: i32, %arg1: i32, %arg2: memref<1024x200xi32, #tpu.memory_space<hbm>>, %arg3: memref<1000000x16xf32, #tpu.memory_space<hbm>>, %arg4: memref<200x16xf32, #tpu.memory_space<hbm>>, %arg5: memref<1024x200x16xf32, #tpu.memory_space<hbm>>, %arg6: memref<32x200xi32, #tpu.memory_space<vmem>>, %arg7: memref<200x16xf32, #tpu.memory_space<vmem>>, %arg8: memref<32x200x16xf32, #tpu.memory_space<vmem>>, %arg9: memref<!tpu.dma_semaphore, #tpu.memory_space<semaphore_mem>>, %arg10: memref<!tpu.dma_semaphore, #tpu.memory_space<semaphore_mem>>) attributes {dimension_semantics = [#tpu.dimension_semantics<core_parallel>, #tpu.dimension_semantics<subcore_parallel>], iteration_bounds = array<i64: 2, 16>, scalar_prefetch = 0 : i64, scratch_operands = 5 : i64, tpu.core_type = #tpu.core_type<sc_vector_subcore>, window_params = [{transform_indices = #map}, {transform_indices = #map}, {transform_indices = #map}, {transform_indices = #map1}]} {
    %mul3A = arith.constant 2 : i32
    %mul3A_0 = arith.muli %arg1, %mul3A : i32
    %add3A = arith.addi %mul3A_0, %arg0 : i32
    %mul3A_1 = arith.constant 32 : i32
    %mul3A_2 = arith.muli %add3A, %mul3A_1 : i32
    "tpu.region"() ({
      %run_scoped3A = tpu.sem_alloc : memref<!tpu.dma_semaphore, #tpu.memory_space<semaphore_mem>>
      %dma_start3A = arith.constant 0 : i32
      %dma_start3A_19 = tpu.memref_slice %arg2[%mul3A_2, %dma_start3A] : memref<1024x200xi32, #tpu.memory_space<hbm>> -> memref<32x200xi32, #tpu.memory_space<hbm>>
      %dma_start3A_20 = arith.constant 0 : i32
      %dma_start3A_21 = tpu.memref_slice %arg2[%mul3A_2, %dma_start3A_20] : memref<1024x200xi32, #tpu.memory_space<hbm>> -> memref<32x200xi32, #tpu.memory_space<hbm>>
      tpu.enqueue_dma source(%dma_start3A_21 : memref<32x200xi32, #tpu.memory_space<hbm>>) target(%arg6 : memref<32x200xi32, #tpu.memory_space<vmem>>) target_semaphore(%run_scoped3A : memref<!tpu.dma_semaphore, #tpu.memory_space<semaphore_mem>>)
      %dma_wait3A_22 = arith.constant 0 : i32
      %dma_wait3A_23 = tpu.memref_slice %arg2[%mul3A_2, %dma_wait3A_22] : memref<1024x200xi32, #tpu.memory_space<hbm>> -> memref<32x200xi32, #tpu.memory_space<hbm>>
      %dma_wait3A_24 = arith.constant 0 : i32
      %dma_wait3A_25 = tpu.memref_slice %arg2[%mul3A_2, %dma_wait3A_24] : memref<1024x200xi32, #tpu.memory_space<hbm>> -> memref<32x200xi32, #tpu.memory_space<hbm>>
      tpu.wait_dma2 semaphore(%run_scoped3A : memref<!tpu.dma_semaphore, #tpu.memory_space<semaphore_mem>>) src(%dma_wait3A_25 : memref<32x200xi32, #tpu.memory_space<hbm>>) dst(%arg6 : memref<32x200xi32, #tpu.memory_space<vmem>>)
      tpu.yield
    }) : () -> ()
    "tpu.region"() ({
      %run_scoped3A = tpu.sem_alloc : memref<!tpu.dma_semaphore, #tpu.memory_space<semaphore_mem>>
      tpu.enqueue_dma source(%arg4 : memref<200x16xf32, #tpu.memory_space<hbm>>) target(%arg7 : memref<200x16xf32, #tpu.memory_space<vmem>>) target_semaphore(%run_scoped3A : memref<!tpu.dma_semaphore, #tpu.memory_space<semaphore_mem>>)
      tpu.wait_dma2 semaphore(%run_scoped3A : memref<!tpu.dma_semaphore, #tpu.memory_space<semaphore_mem>>) src(%arg4 : memref<200x16xf32, #tpu.memory_space<hbm>>) dst(%arg7 : memref<200x16xf32, #tpu.memory_space<vmem>>)
      tpu.yield
    }) : () -> ()
    %scan3A = arith.constant 0 : i32
    %scan3A_3 = arith.constant 0 : i32
    %scan3A_4 = arith.constant 200 : i32
    %scan3A_5 = arith.addi %scan3A_3, %scan3A_4 : i32
    %scan3A_6 = arith.constant 1 : i32
    scf.for %scan3A_19 = %scan3A_3 to %scan3A_5 step %scan3A_6  : i32 {
      %get3A = arith.index_cast %scan3A_19 : i32 to index
      %get3A_20 = arith.constant 0 : index
      %get3A_21 = tpu.vector_load %arg7[%get3A, %get3A_20] {strides = array<i32>} : memref<200x16xf32, #tpu.memory_space<vmem>>, vector<1x16xf32>,
      %get3A_22 = vector.shape_cast %get3A_21 : vector<1x16xf32> to vector<16xf32>
      %scan3A_23 = arith.constant 0 : i32
      %scan3A_24 = arith.constant 32 : i32
      %scan3A_25 = arith.addi %scan3A_23, %scan3A_24 : i32
      %scan3A_26 = arith.constant 1 : i32
      scf.for %scan3A_28 = %scan3A_23 to %scan3A_25 step %scan3A_26  : i32 {
        %swap3A = arith.index_cast %scan3A_28 : i32 to index
        %swap3A_29 = arith.index_cast %scan3A_19 : i32 to index
        %swap3A_30 = arith.constant 0 : index
        %swap3A_31 = tpu.vector_load %arg8[%swap3A, %swap3A_29, %swap3A_30] {strides = array<i32>} : memref<32x200x16xf32, #tpu.memory_space<vmem>>, vector<1x1x16xf32>,
        %swap3A_32 = vector.shape_cast %swap3A_31 : vector<1x1x16xf32> to vector<16xf32>
        %swap3A_33 = vector.shape_cast %get3A_22 : vector<16xf32> to vector<1x1x16xf32>
        tpu.vector_store %arg8[%swap3A, %swap3A_29, %swap3A_30], %swap3A_33 {strides = array<i32>} : memref<32x200x16xf32, #tpu.memory_space<vmem>>, vector<1x1x16xf32>,
      }
      %scan3A_27 = arith.constant 32 : i32
    }
    %scan3A_7 = arith.constant 200 : i32
    %scan3A_8 = arith.constant 0 : i32
    %scan3A_9 = arith.constant 0 : i32
    %scan3A_10 = arith.constant 32 : i32
    %scan3A_11 = arith.addi %scan3A_9, %scan3A_10 : i32
    %scan3A_12 = arith.constant 1 : i32
    scf.for %scan3A_19 = %scan3A_9 to %scan3A_11 step %scan3A_12  : i32 {
      %dma_start3A = arith.constant 0 : i32
      %dma_start3A_20 = arith.constant 0 : i32
      %dma_start3A_21 = tpu.memref_slice %arg8[%scan3A_19, %dma_start3A, %dma_start3A_20] : memref<32x200x16xf32, #tpu.memory_space<vmem>> -> memref<1x128x16xf32, #tpu.memory_space<vmem>>
      %dma_start3A_22 = tpu.memref_squeeze %dma_start3A_21 : memref<1x128x16xf32, #tpu.memory_space<vmem>> -> memref<128x16xf32, #tpu.memory_space<vmem>>
      %dma_start3A_23 = arith.constant 0 : i32
      %dma_start3A_24 = tpu.memref_slice %arg6[%scan3A_19, %dma_start3A_23] : memref<32x200xi32, #tpu.memory_space<vmem>> -> memref<1x128xi32, #tpu.memory_space<vmem>>
      %dma_start3A_25 = tpu.memref_squeeze %dma_start3A_24 : memref<1x128xi32, #tpu.memory_space<vmem>> -> memref<128xi32, #tpu.memory_space<vmem>>
      %dma_start3A_26 = arith.constant 0 : i32
      %dma_start3A_27 = arith.constant 0 : i32
      %dma_start3A_28 = tpu.memref_slice %arg3[%dma_start3A_26, %dma_start3A_27] : memref<1000000x16xf32, #tpu.memory_space<hbm>> -> memref<1000000x16xf32, #tpu.memory_space<hbm>>
      tpu.enqueue_indirect_dma source(%dma_start3A_28 : memref<1000000x16xf32, #tpu.memory_space<hbm>>) target(%dma_start3A_22 : memref<128x16xf32, #tpu.memory_space<vmem>>) offsets(%dma_start3A_25 : memref<128xi32, #tpu.memory_space<vmem>>) semaphore(%arg9 : memref<!tpu.dma_semaphore, #tpu.memory_space<semaphore_mem>>) {add = true}
      %dma_start3A_29 = arith.constant 128 : i32
      %dma_start3A_30 = arith.constant 0 : i32
      %dma_start3A_31 = tpu.memref_slice %arg8[%scan3A_19, %dma_start3A_29, %dma_start3A_30] : memref<32x200x16xf32, #tpu.memory_space<vmem>> -> memref<1x72x16xf32, #tpu.memory_space<vmem>>
      %dma_start3A_32 = tpu.memref_squeeze %dma_start3A_31 : memref<1x72x16xf32, #tpu.memory_space<vmem>> -> memref<72x16xf32, #tpu.memory_space<vmem>>
      %dma_start3A_33 = arith.constant 128 : i32
      %dma_start3A_34 = tpu.memref_slice %arg6[%scan3A_19, %dma_start3A_33] : memref<32x200xi32, #tpu.memory_space<vmem>> -> memref<1x72xi32, #tpu.memory_space<vmem>>
      %dma_start3A_35 = tpu.memref_squeeze %dma_start3A_34 : memref<1x72xi32, #tpu.memory_space<vmem>> -> memref<72xi32, #tpu.memory_space<vmem>>
      %dma_start3A_36 = arith.constant 0 : i32
      %dma_start3A_37 = arith.constant 0 : i32
      %dma_start3A_38 = tpu.memref_slice %arg3[%dma_start3A_36, %dma_start3A_37] : memref<1000000x16xf32, #tpu.memory_space<hbm>> -> memref<1000000x16xf32, #tpu.memory_space<hbm>>
      tpu.enqueue_indirect_dma source(%dma_start3A_38 : memref<1000000x16xf32, #tpu.memory_space<hbm>>) target(%dma_start3A_32 : memref<72x16xf32, #tpu.memory_space<vmem>>) offsets(%dma_start3A_35 : memref<72xi32, #tpu.memory_space<vmem>>) semaphore(%arg9 : memref<!tpu.dma_semaphore, #tpu.memory_space<semaphore_mem>>) {add = true}
    }
    %scan3A_13 = arith.constant 32 : i32
    %dma_wait3A = arith.constant 0 : i32
    %dma_wait3A_14 = arith.constant 0 : i32
    %dma_wait3A_15 = tpu.memref_slice %arg5[%mul3A_2, %dma_wait3A, %dma_wait3A_14] : memref<1024x200x16xf32, #tpu.memory_space<hbm>> -> memref<32x200x16xf32, #tpu.memory_space<hbm>>
    %dma_wait3A_16 = arith.constant 0 : i32
    %dma_wait3A_17 = arith.constant 0 : i32
    %dma_wait3A_18 = tpu.memref_slice %arg5[%mul3A_2, %dma_wait3A_16, %dma_wait3A_17] : memref<1024x200x16xf32, #tpu.memory_space<hbm>> -> memref<32x200x16xf32, #tpu.memory_space<hbm>>
    tpu.wait_dma2 semaphore(%arg9 : memref<!tpu.dma_semaphore, #tpu.memory_space<semaphore_mem>>) src(%dma_wait3A_18 : memref<32x200x16xf32, #tpu.memory_space<hbm>>) dst(%arg8 : memref<32x200x16xf32, #tpu.memory_space<vmem>>)
    "tpu.region"() ({
      %run_scoped3A = tpu.sem_alloc : memref<!tpu.dma_semaphore, #tpu.memory_space<semaphore_mem>>
      %dma_start3A = arith.constant 0 : i32
      %dma_start3A_19 = arith.constant 0 : i32
      %dma_start3A_20 = tpu.memref_slice %arg5[%mul3A_2, %dma_start3A, %dma_start3A_19] : memref<1024x200x16xf32, #tpu.memory_space<hbm>> -> memref<32x200x16xf32, #tpu.memory_space<hbm>>
      %dma_start3A_21 = arith.constant 0 : i32
      %dma_start3A_22 = arith.constant 0 : i32
      %dma_start3A_23 = tpu.memref_slice %arg5[%mul3A_2, %dma_start3A_21, %dma_start3A_22] : memref<1024x200x16xf32, #tpu.memory_space<hbm>> -> memref<32x200x16xf32, #tpu.memory_space<hbm>>
      tpu.enqueue_dma source(%arg8 : memref<32x200x16xf32, #tpu.memory_space<vmem>>) target(%dma_start3A_23 : memref<32x200x16xf32, #tpu.memory_space<hbm>>) target_semaphore(%run_scoped3A : memref<!tpu.dma_semaphore, #tpu.memory_space<semaphore_mem>>)
      %dma_wait3A_24 = arith.constant 0 : i32
      %dma_wait3A_25 = arith.constant 0 : i32
      %dma_wait3A_26 = tpu.memref_slice %arg5[%mul3A_2, %dma_wait3A_24, %dma_wait3A_25] : memref<1024x200x16xf32, #tpu.memory_space<hbm>> -> memref<32x200x16xf32, #tpu.memory_space<hbm>>
      %dma_wait3A_27 = arith.constant 0 : i32
      %dma_wait3A_28 = arith.constant 0 : i32
      %dma_wait3A_29 = tpu.memref_slice %arg5[%mul3A_2, %dma_wait3A_27, %dma_wait3A_28] : memref<1024x200x16xf32, #tpu.memory_space<hbm>> -> memref<32x200x16xf32, #tpu.memory_space<hbm>>
      tpu.wait_dma2 semaphore(%run_scoped3A : memref<!tpu.dma_semaphore, #tpu.memory_space<semaphore_mem>>) src(%arg8 : memref<32x200x16xf32, #tpu.memory_space<vmem>>) dst(%dma_wait3A_29 : memref<32x200x16xf32, #tpu.memory_space<hbm>>)
      tpu.yield
    }) : () -> ()
    return
  }
}

</mosaic_0001>

<sc_bundles>
// kernel: _sc_gather_pe.3.cloned.1.call-start
scs
__scs_entry_jumppad:
0x0: {  	(pc) =	sbr.rel $0x88, $3  }
0x1: {  	(tag) =	ssettag $0x0;
	lr =	simm.s32 $0x1  }
0x2: {  	[smem:$0x3F9E] =	sst lr;
	_ =	strace $0xD0000000  }
0x3: {  	_ = 	snop  }
0x4: {  	_ = 	snop  }
0x5: {  	_ = 	snop  }
0x6: {  	_ = 	snop  }
0x7: {  	_ = 	snop  }
__scs_overlays_trampoline_lowered:
0x8: {  	[smem:$0x3FAD] =	sst s0  }
0x9: {  	[smem:$0x3FAE] =	sst s1  }
0xa: {  	[smem:$0x3FAF] =	sst s2  }
0xb: {  	[smem:$0x3FB0] =	sst s3  }
0xc: {  	[smem:$0x3FB1] =	sst s4  }
0xd: {  	[smem:$0x3FB2] =	sst s5  }
0xe: {  	[smem:$0x3FB3] =	sst s6  }
0xf: {  	[smem:$0x3FB4] =	sst s7  }
0x10: {  	[smem:$0x3FB5] =	sst s8  }
0x11: {  	[smem:$0x3FB6] =	sst s9;
	s0 =	simm.s32 @!p0 $0x0  }
0x12: {  	s1 =	sld [smem:$0x3F9C];
	s0 =	simm.s32 @p0 $0x1  }
0x13: {  	[smem:$0x3FB7] =	sst s0;
	s0 =	simm.s32 @!p1 $0x0  }
0x14: {  	s2 =	sld [smem:$0x3F9B];
	s0 =	simm.s32 @p1 $0x1  }
0x15: {  	[smem:$0x3FB8] =	sst s0;
	s0 =	simm.s32 @!p2 $0x0  }
0x16: {  	s3 =	sld [smem:$0x3FDB];
	s0 =	simm.s32 @p2 $0x1  }
0x17: {  	s4 =	simm.s32 $0x1BF5;
	[smem:$0x3FBA] =	sst s0  }
0x18: {  	s0 =	sld [smem:$0x3F9D];
	_ =	swait.ge [sflag:s4], $0x0  }
0x19: {  	s7 =	sld [smem:$0x3F9E]  }
0x1a: {  	s8 =	sadd.s32 $0xFFFFE003, lr  }
0x1b: {  	s9 =	sadd.s32 $0xFFFFFEF7, lr;
	s5 =	simm.s32 $0xFFFFFFFF;
	p2 =	slt.u32 s8, $0xFFFFF086  }
0x1c: {  	p1 =	slt.u32 s9, $0xF7A;
	s5 =	simm.s32 @!p2 $0x0  }
0x1d: {  	s5 =	simm.s32 @p1 $0x1;
	p0 =	seq.s32 s7, s2  }
0x1e: {  	s7 =	smul.u32 @!p0 $0xF7A, s2;
	p2 =	seq.s32 @!p0 s5, $0x0  }
0x1f: {  	s9 =	smul.u32 $0xF7A, s1;
	s8 =	simm.s32 @!p0 $0x1BF5;
	p2 =	por !p2, p0  }
0x20: {  	[sflag:s8] =	ssyncset.s32 @!p0 $0xFFFFF086;
	s6 =	sadd.s32 @!p0 s3, s7;
	s7 =	simm.s32 @!p0 $0x108  }
0x21: {  	s3 =	sadd.s32 s3, s9;
	s6 =	sadd.s32 @!p0 $0x88, s6;
	s7 =	simm.s32 @p2 $0x1082  }
0x22: {  	[simem:s7], [sflag:s8] =	dma.local @!p0 [hbm:s6], $0xF7A  }
0x23: {  	s9 =	sor.u32 $0xD0000000, s2;
	s6 =	simm.s32 $0x108;
	_ =	swait.ge @!p0 [sflag:s8], $0x0  }
0x24: {  	s3 =	sadd.s32 $0x88, s3;
	s6 =	simm.s32 @!p1 $0x1082;
	[sflag:s4] =	ssyncset.s32 $0xFFFFF086  }
0x25: {  	[simem:s6], [sflag:s4] =	dma.local [hbm:s3], $0xF7A  }
0x26: {  	[smem:$0x3F9E] =	sst s1;
	(tag) =	ssettag s2;
	_ =	strace s9  }
0x27: {  	s1 =	sld [smem:$0x3FAE]  }
0x28: {  	s2 =	sld [smem:$0x3FAF]  }
0x29: {  	s4 =	sld [smem:$0x3FB1]  }
0x2a: {  	p0 =	seq.s32 s5, $0x0;
	s5 =	sld [smem:$0x3FB2]  }
0x2b: {  	s6 =	sld [smem:$0x3FB3]  }
0x2c: {  	s7 =	sld [smem:$0x3FB4]  }
0x2d: {  	s3 =	simm.s32 $0x108;
	s8 =	sld [smem:$0x3FB5]  }
0x2e: {  	s3 =	simm.s32 @!p0 $0x1082;
	s9 =	sld [smem:$0x3FB6]  }
0x2f: {  	lr =	sadd.s32 s0, s3;
	s0 =	sld [smem:$0x3FAD]  }
0x30: {  	s3 =	sld [smem:$0x3FB0]  }
0x31: {  	[smem:$0x3FB9] =	sst s10  }
0x32: {  	s10 =	sld [smem:$0x3FB7];
	_ =	sdelay $0x3  }
0x33: {  	p0 =	seq.s32 s10, $0x1;
	s10 =	sld [smem:$0x3FB9];
	_ =	sdelay $0x3  }
0x34: {  	[smem:$0x3FB9] =	sst s10  }
0x35: {  	s10 =	sld [smem:$0x3FB8];
	_ =	sdelay $0x3  }
0x36: {  	p1 =	seq.s32 s10, $0x1;
	s10 =	sld [smem:$0x3FB9];
	_ =	sdelay $0x3  }
0x37: {  	[smem:$0x3FB9] =	sst s10  }
0x38: {  	s10 =	sld [smem:$0x3FBA]  }
0x39: {  	_ = 	snop;
	(pc) =	sbr.ind lr, $3  }
0x3a: {  	_ = 	snop  }
0x3b: {  	_ = 	snop  }
0x3c: {  	p2 =	seq.s32 s10, $0x1;
	s10 =	sld [smem:$0x3FB9]  }
0x3d: {  	_ =	shalt  }
0x3e: {  	_ =	shalt  }
0x3f: {  	_ =	shalt  }
0x40: {  	_ =	shalt  }
0x41: {  	_ =	shalt  }
0x42: {  	_ =	shalt  }
0x43: {  	_ =	shalt  }
0x44: {  	_ =	shalt  }
0x45: {  	_ =	shalt  }
0x46: {  	_ =	shalt  }
0x47: {  	_ =	shalt  }
0x48: {  	_ =	shalt  }
0x49: {  	_ =	shalt  }
0x4a: {  	_ =	shalt  }
0x4b: {  	_ =	shalt  }
0x4c: {  	_ =	shalt  }
0x4d: {  	_ =	shalt  }
0x4e: {  	_ =	shalt  }
0x4f: {  	_ =	shalt  }
0x50: {  	_ =	shalt  }
0x51: {  	_ =	shalt  }
0x52: {  	_ =	shalt  }
0x53: {  	_ =	shalt  }
0x54: {  	_ =	shalt  }
0x55: {  	_ =	shalt  }
0x56: {  	_ =	shalt  }
0x57: {  	_ =	shalt  }
0x58: {  	_ =	shalt  }
0x59: {  	_ =	shalt  }
0x5a: {  	_ =	shalt  }
0x5b: {  	_ =	shalt  }
0x5c: {  	_ =	shalt  }
0x5d: {  	_ =	shalt  }
0x5e: {  	_ =	shalt  }
0x5f: {  	_ =	shalt  }
0x60: {  	_ =	shalt  }
0x61: {  	_ =	shalt  }
0x62: {  	_ =	shalt  }
0x63: {  	_ =	shalt  }
0x64: {  	_ =	shalt  }
0x65: {  	_ =	shalt  }
0x66: {  	_ =	shalt  }
0x67: {  	_ =	shalt  }
0x68: {  	_ =	shalt  }
0x69: {  	_ =	shalt  }
0x6a: {  	_ =	shalt  }
0x6b: {  	_ =	shalt  }
0x6c: {  	_ =	shalt  }
0x6d: {  	_ =	shalt  }
0x6e: {  	_ =	shalt  }
0x6f: {  	_ =	shalt  }
0x70: {  	_ =	shalt  }
0x71: {  	_ =	shalt  }
0x72: {  	_ =	shalt  }
0x73: {  	_ =	shalt  }
0x74: {  	_ =	shalt  }
0x75: {  	_ =	shalt  }
0x76: {  	_ =	shalt  }
0x77: {  	_ =	shalt  }
0x78: {  	_ =	shalt  }
0x79: {  	_ =	shalt  }
0x7a: {  	_ =	shalt  }
0x7b: {  	_ =	shalt  }
0x7c: {  	_ =	shalt  }
0x7d: {  	_ =	shalt  }
0x7e: {  	_ =	shalt  }
0x7f: {  	_ =	shalt  }
0x80: {  	_ =	shalt  }
0x81: {  	_ =	shalt  }
0x82: {  	_ =	shalt  }
0x83: {  	_ =	shalt  }
0x84: {  	_ =	shalt  }
0x85: {  	_ =	shalt  }
0x86: {  	_ =	shalt  }
0x87: {  	_ =	shalt  }
.Lfunc_end0:
.L_simem_size_0:
called_computation_lowered:
.L_overlay_start_0:
0x88: {  	s2 =	sld [smem:$0x3FD9]  }
0x89: {  	s3 =	sld [smem:$0x3FFE];
	_ =	sdelay $0x1  }
0x8a: {  	s1 =	srdreg.scid  }
0x8b: {  	s0 =	sand.u32 $0x1, s1  }
0x8c: {  	s17 =	sshll.u32 s0, $0xA;
	s2 =	sadd.s32 s3, s2  }
0x8d: {  	s2 =	sadd.s32 s2, s17  }
0x8e: {  	[smem:$0x3FC5] =	sst s2  }
0x8f: {  	_ = 	snop  }
0x90: {  	s2 =	sld [smem:$0x3FD0];
	(tm) =	ssettm $0x1  }
0x91: {  	s18 =	sld [smem:$0x3FFB];
	_ =	sdelay $0x3  }
0x92: {  	_ =	strace s18  }
0x93: {  	s3 =	sld [smem:$0x3FFC];
	_ =	sdelay $0x3  }
0x94: {  	_ =	strace s3  }
0x95: {  	s3 =	sld [smem:$0x3FFD];
	_ =	sdelay $0x3  }
0x96: {  	_ =	strace s3  }
0x97: {  	_ =	strace $0x8FFFFFFF  }
0x98: {  	s19 =	sld [smem:$0x3FDB];
	_ =	sdelay $0x1  }
0x99: {  	s4 =	simm.s32 $_scs_section_size  }
0x9a: {  	s5 =	simm.s32 $_size__tile_overlayer_lowered;
	s6 =	simm.s32 $_tile_overlayer_lowered  }
0x9b: {  	s22 =	simm.s32 $0x1BFF;
	s21 =	sshll.u32 s6, $0x1;
	s3 =	sadd.s32 s4, s19  }
0x9c: {  	s7 =	simm.s32 $0x0;
	s20 =	sshll.u32 s5, $0x1;
	s5 =	sadd.s32 s21, s3  }
0x9d: {  	[timem:s7], [sflag:s22] =	dma.local [hbm:s5], s20  }
0x9e: {  	_ =	swait.ge [sflag:s22], s20  }
0x9f: {  	s4 =	ssub.s32 $0x0, s20;
	[sflag:s22] =	ssyncset.done $0x0  }
0xa0: {  	[sflag:s22] =	ssyncadd.s32 s4;
	_ =	sdelay $0x1  }
0xa1: {  	s23 =	simm.s32 $0x1B8B  }
0xa2: {  	_ =	swait.ge [sflag:s23], $0x1  }
0xa3: {  	[sflag:s23] =	ssyncset.done $0x0  }
0xa4: {  	s25 =	simm.s32 $0x1B8E;
	s24 =	sld [smem:$0x3FFE];
	[sflag:s23] =	ssyncadd.s32 $0xFFFFFFFF  }
0xa5: {  	s26 =	simm.s32 $execute0_lowered;
	[smem:$0x3FD2] =	sst s25  }
0xa6: {  	s5 =	sshll.u32 s26, $0x1;
	_ =	strace $0x80000046;
	[dreg:$0x1] =	wrdreg $0xFFFFFFFF  }
0xa7: {  	s28 =	simm.s32 $_size_execute0_lowered;
	s3 =	sadd.s32 s3, s5;
	[dreg:$0x0] =	wrdreg $0x0  }
0xa8: {  	s5 =	sshll.u32 s28, $0x1;
	[dreg:$0x2] =	wrdreg s3  }
0xa9: {  	[dreg:$0x3] =	wrdreg s5  }
0xaa: {  	[dreg:$0x4] =	wrdreg $0xC0  }
0xab: {  	_ =	task [dreg:s7], $0x5FFFF  }
0xac: {  	[dreg:$0x1] =	wrdreg $0xFFFFFFFF  }
0xad: {  	[dreg:$0x0] =	wrdreg $0x60  }
0xae: {  	[dreg:$0x2] =	wrdreg s24  }
0xaf: {  	[dreg:$0x3] =	wrdreg s2  }
0xb0: {  	[dreg:$0x4] =	wrdreg $0x9  }
0xb1: {  	_ =	task.clear_ibuf [dreg:s7], $0x5FFFF;
	_ =	strace $0x90000046  }
0xb2: {  	s29 =	simm.s32 $0x9;
	_ =	strace $0x80000048  }
0xb3: {  	_ =	swait.ge [sflag:s29], $0x1  }
0xb4: {  	[sflag:s29] =	ssyncadd.s32 $0xFFFFFFFF  }
0xb5: {  	_ =	strace $0x90000048  }
0xb6: {  	_ =	sfence  }
0xb7: {  	s30 =	sld [smem:$0x0];
	_ =	sdelay $0x2  }
0xb8: {  	s31 =	sshll.u32 s1, $0xD;
	s1 =	sshrl.u32 s1, $0x2  }
0xb9: {  	s3 =	sand.u32 $0x4000, s31;
	s1 =	sadd.s32 s1, s30  }
0xba: {  	s0 =	sor.u32 s3, s0;
	s1 =	sshll.u32 s1, $0x11  }
0xbb: {  	s0 =	sor.u32 s1, s0  }
0xbc: {  	s0 =	sadd.s32 $0x8F2B, s0  }
0xbd: {  	[sflag:s0] =	ssyncadd.remote.s32 $0x1  }
0xbe: {  	_ =	sfence.sel $0xFFFF  }
0xbf: {  	[dreg:$0x0] =	wrdreg $0xFFFFFFFF;
	(pc) =	sbr.abs _section_cstart, $3  }
0xc0: {  	[dreg:$0x1] =	wrdreg $0xFFFFFFFF  }
0xc1: {  	_ =	task.clear_ibuf [dreg:s7], $0x2FFFF;
	_ =	strace $0x9FFFFFFF  }
0xc2: {  	(tm) =	ssettm $0x7FFFFFFF  }
0xc3: {  	_ =	shalt  }
tec
execute0_lowered:
.L_overlay_start_1:
0x0: {  	(tag) =	ssettag $0x1  }
0x1: {  	s1 =	srdreg.scid  }
0x2: {  	s0 =	stileid.u32;
	s4 =	rddreg [dreg:$0x0]  }
0x3: {  	s6 =	rddreg [dreg:$0x1];
	s11 =	simm.s32 $0x48;
	s12 =	simm.s32 $0x1  }
0x4: {  	s13 =	simm.s32 $0x2580;
	s14 =	simm.s32 $0x0;
	s3 =	sand.u32 $0x1, s1  }
0x5: {  	s31 =	sshll.u32 s0, $0x6;
	s1 =	rddreg [dreg:$0x2];
	s2 =	sshll.u32 s3, $0x5  }
0x6: {  	s8 =	ssub.s32 $0x2, s3;
	s3 =	sadd.s32 $0xF42C00, s4;
	s5 =	sor.u32 s2, s31  }
0x7: {  	s2 =	simm.s32 $0x0;
	s9 =	sshrl.u32 s8, $0x1;
	s7 =	smul.u32 $0x19, s5  }
0x8: {  	[smem:$0x7FF] =	sst s2;
	s10 =	smul.u32 $0x190, s5;
	s8 =	ssub.s32 s8, s9  }
0x9: {  	s9 =	simm.s32 $0x1900;
	_ =	strace $0x80000047;
	s7 =	sadd.s32 s7, s4  }
0xa: {  	s4 =	sadd.s32 $0x6C00, s4;
	s6 =	sadd.s32 s6, s10;
	s10 =	simm.s32 $0x80  }
0xb: {  	s5 =	sadd.s32 $0x800, s7;
	s7 =	smax.u32 s8, $0x1;
	s8 =	simm.s32 $0x2  }
.LBB2_1:
0xc: {  	[tilespmem:s2], [sflag:$0x2] =	stream.linear.gather [hbm4b:s5+s2], $0x1900, $0x38;
	[tilespmem:$0x1B580] =	vst v63  }
0xd: {  	_ =	swait.ge [sflag:s8], $0x1900  }
0xe: {  	[sflag:s8] =	ssyncset.done $0x0  }
0xf: {  	[sflag:s8] =	ssyncadd.s32 $0xFFFFE700  }
0x10: {  	[tilespmem:s9], [sflag:$0x2] =	stream.linear.gather [hbm4b:s4+s2], $0xC80, $0x38;
	[tilespmem:$0x1B580] =	vst v63  }
0x11: {  	_ =	swait.ge [sflag:s8], $0xC80  }
0x12: {  	[sflag:s8] =	ssyncset.done $0x0  }
0x13: {  	s15 =	simm.s32 $0x0;
	[sflag:s8] =	ssyncadd.s32 $0xFFFFF380  }
0x14: {  	v0 =	vld [tilespmem:s15+$0x1900];
	_ =	sdelay $0x4  }
0x15: {  	[tilespmem:s15+$0x1A900] =	vst v0  }
0x16: {  	[tilespmem:s15+$0x2580] =	vst v0  }
0x17: {  	[tilespmem:s15+$0x3200] =	vst v0  }
0x18: {  	[tilespmem:s15+$0x3E80] =	vst v0  }
0x19: {  	[tilespmem:s15+$0x4B00] =	vst v0  }
0x1a: {  	[tilespmem:s15+$0x5780] =	vst v0  }
0x1b: {  	[tilespmem:s15+$0x6400] =	vst v0  }
0x1c: {  	[tilespmem:s15+$0x7080] =	vst v0  }
0x1d: {  	[tilespmem:s15+$0x7D00] =	vst v0  }
0x1e: {  	[tilespmem:s15+$0x8980] =	vst v0  }
0x1f: {  	[tilespmem:s15+$0x9600] =	vst v0  }
0x20: {  	[tilespmem:s15+$0xA280] =	vst v0  }
0x21: {  	[tilespmem:s15+$0xAF00] =	vst v0  }
0x22: {  	[tilespmem:s15+$0xBB80] =	vst v0  }
0x23: {  	[tilespmem:s15+$0xC800] =	vst v0  }
0x24: {  	[tilespmem:s15+$0xD480] =	vst v0  }
0x25: {  	[tilespmem:s15+$0xE100] =	vst v0  }
0x26: {  	[tilespmem:s15+$0xED80] =	vst v0  }
0x27: {  	[tilespmem:s15+$0xFA00] =	vst v0  }
0x28: {  	[tilespmem:s15+$0x10680] =	vst v0  }
0x29: {  	[tilespmem:s15+$0x11300] =	vst v0  }
0x2a: {  	[tilespmem:s15+$0x11F80] =	vst v0  }
0x2b: {  	[tilespmem:s15+$0x12C00] =	vst v0  }
0x2c: {  	[tilespmem:s15+$0x13880] =	vst v0  }
0x2d: {  	[tilespmem:s15+$0x14500] =	vst v0  }
0x2e: {  	[tilespmem:s15+$0x15180] =	vst v0  }
0x2f: {  	s17 =	simm.s32 $0x10;
	s16 =	simm.s32 $0x80;
	[tilespmem:s15+$0x15E00] =	vst v0  }
.LBB2_2:
0x30: {  	p0 =	sne.s32 s16, $0x31C0;
	v1 =	vld [tilespmem:s17+$0x1900];
	[tilespmem:s15+$0x16A80] =	vst v0  }
0x31: {  	[tilespmem:s15+$0x17700] =	vst v0  }
0x32: {  	[tilespmem:s15+$0x18380] =	vst v0  }
0x33: {  	[tilespmem:s15+$0x19000] =	vst v0  }
0x34: {  	[tilespmem:s15+$0x19C80] =	vst v0;
	s15 =	smov.u32 s17  }
0x35: {  	[tilespmem:s15+$0x1A900] =	vst v1;
	v0 =	vmov v1  }
0x36: {  	[tilespmem:s15+$0x2580] =	vst v0  }
0x37: {  	[tilespmem:s15+$0x3200] =	vst v0  }
0x38: {  	[tilespmem:s15+$0x3E80] =	vst v0  }
0x39: {  	[tilespmem:s15+$0x4B00] =	vst v0  }
0x3a: {  	[tilespmem:s15+$0x5780] =	vst v0  }
0x3b: {  	[tilespmem:s15+$0x6400] =	vst v0  }
0x3c: {  	[tilespmem:s15+$0x7080] =	vst v0  }
0x3d: {  	[tilespmem:s15+$0x7D00] =	vst v0  }
0x3e: {  	[tilespmem:s15+$0x8980] =	vst v0  }
0x3f: {  	[tilespmem:s15+$0x9600] =	vst v0  }
0x40: {  	[tilespmem:s15+$0xA280] =	vst v0  }
0x41: {  	[tilespmem:s15+$0xAF00] =	vst v0  }
0x42: {  	[tilespmem:s15+$0xBB80] =	vst v0  }
0x43: {  	[tilespmem:s15+$0xC800] =	vst v0  }
0x44: {  	[tilespmem:s15+$0xD480] =	vst v0  }
0x45: {  	[tilespmem:s15+$0xE100] =	vst v0  }
0x46: {  	[tilespmem:s15+$0xED80] =	vst v0  }
0x47: {  	[tilespmem:s15+$0xFA00] =	vst v0  }
0x48: {  	[tilespmem:s15+$0x10680] =	vst v0  }
0x49: {  	[tilespmem:s15+$0x11300] =	vst v0  }
0x4a: {  	[tilespmem:s15+$0x11F80] =	vst v0  }
.Ltmp0:
0x4b: {  	[tilespmem:s15+$0x12C00] =	vst v0;
	(pc) =	sbr.rel @p0 .LBB2_2-.Ltmp0, $4  }
0x4c: {  	[tilespmem:s15+$0x13880] =	vst v0  }
0x4d: {  	[tilespmem:s15+$0x14500] =	vst v0  }
0x4e: {  	[tilespmem:s15+$0x15180] =	vst v0  }
0x4f: {  	s17 =	sshra.s32 s16, $0x2;
	s16 =	sadd.s32 $0x40, s16;
	[tilespmem:s15+$0x15E00] =	vst v0  }
0x50: {  	v1 =	vld [tilespmem:s17+$0x1900];
	[tilespmem:s15+$0x16A80] =	vst v0  }
0x51: {  	[tilespmem:s15+$0x17700] =	vst v0  }
0x52: {  	[tilespmem:s15+$0x18380] =	vst v0  }
0x53: {  	[tilespmem:s15+$0x19000] =	vst v0  }
0x54: {  	[tilespmem:s15+$0x19C80] =	vst v0  }
0x55: {  	[tilespmem:s17+$0x1A900] =	vst v1  }
0x56: {  	[tilespmem:s17+$0x2580] =	vst v1  }
0x57: {  	[tilespmem:s17+$0x3200] =	vst v1  }
0x58: {  	[tilespmem:s17+$0x3E80] =	vst v1  }
0x59: {  	[tilespmem:s17+$0x4B00] =	vst v1  }
0x5a: {  	[tilespmem:s17+$0x5780] =	vst v1  }
0x5b: {  	[tilespmem:s17+$0x6400] =	vst v1  }
0x5c: {  	[tilespmem:s17+$0x7080] =	vst v1  }
0x5d: {  	[tilespmem:s17+$0x7D00] =	vst v1  }
0x5e: {  	[tilespmem:s17+$0x8980] =	vst v1  }
0x5f: {  	[tilespmem:s17+$0x9600] =	vst v1  }
0x60: {  	[tilespmem:s17+$0xA280] =	vst v1  }
0x61: {  	[tilespmem:s17+$0xAF00] =	vst v1  }
0x62: {  	[tilespmem:s17+$0xBB80] =	vst v1  }
0x63: {  	[tilespmem:s17+$0xC800] =	vst v1  }
0x64: {  	[tilespmem:s17+$0xD480] =	vst v1  }
0x65: {  	[tilespmem:s17+$0xE100] =	vst v1  }
0x66: {  	[tilespmem:s17+$0xED80] =	vst v1  }
0x67: {  	[tilespmem:s17+$0xFA00] =	vst v1  }
0x68: {  	[tilespmem:s17+$0x10680] =	vst v1  }
0x69: {  	[tilespmem:s17+$0x11300] =	vst v1  }
0x6a: {  	[tilespmem:s17+$0x11F80] =	vst v1  }
0x6b: {  	[tilespmem:s17+$0x12C00] =	vst v1  }
0x6c: {  	[tilespmem:s17+$0x13880] =	vst v1  }
0x6d: {  	[tilespmem:s17+$0x14500] =	vst v1  }
0x6e: {  	[tilespmem:s17+$0x15180] =	vst v1  }
0x6f: {  	[tilespmem:s17+$0x15E00] =	vst v1  }
0x70: {  	[tilespmem:s17+$0x16A80] =	vst v1  }
0x71: {  	[tilespmem:s17+$0x17700] =	vst v1  }
0x72: {  	[tilespmem:s17+$0x18380] =	vst v1  }
0x73: {  	[tilespmem:s17+$0x19000] =	vst v1  }
0x74: {  	s31 =	simm.s32 $0x2580;
	s16 =	simm.s32 $0x0;
	s15 =	simm.s32 $0x320;
	[tilespmem:s17+$0x19C80] =	vst v1  }
0x75: {  	[tilespmem:s31], [sflag:$0x1] =	stream.indirect.gather.add.f32 [hbm:s3], $0x10, s16, s10, $0xb8;
	[tilespmem:$0x1B580] =	vst v63  }
0x76: {  	s18 =	simm.s32 $0x80;
	s17 =	simm.s32 $0x2D80;
	s16 =	simm.s32 $0x3200  }
.LBB2_4:
0x77: {  	[tilespmem:s17], [sflag:$0x1] =	stream.indirect.gather.add.f32 [hbm:s3], $0x10, s18, s11, $0xb8;
	[tilespmem:$0x1B580] =	vst v63  }
0x78: {  	s17 =	smov.u32 s15;
	p0 =	sne.s32 s15, $0x60E0  }
.Ltmp1:
0x79: {  	s15 =	sadd.s32 $0x320, s15;
	(pc) =	sbr.rel @p0 .LBB2_4-.Ltmp1, $4  }
0x7a: {  	_ = 	snop  }
0x7b: {  	s18 =	sshra.s32 s17, $0x2  }
0x7c: {  	[tilespmem:s16], [sflag:$0x1] =	stream.indirect.gather.add.f32 [hbm:s3], $0x10, s18, s10, $0xb8;
	[tilespmem:$0x1B580] =	vst v63  }
0x7d: {  	s17 =	sadd.s32 $0x800, s16;
	s18 =	sadd.s32 $0x80, s18;
	s16 =	sadd.s32 $0xC80, s16  }
0x7e: {  	[tilespmem:s17], [sflag:$0x1] =	stream.indirect.gather.add.f32 [hbm:s3], $0x10, s18, s11, $0xb8;
	[tilespmem:$0x1B580] =	vst v63  }
0x7f: {  	s14 =	sadd.s32 $0x1, s14;
	_ =	swait.ge [sflag:s12], $0x19000  }
0x80: {  	p0 =	sne.s32 s14, s7;
	[sflag:s12] =	ssyncset.done $0x0  }
.Ltmp2:
0x81: {  	[sflag:s12] =	ssyncadd.s32 $0xFFFE7000;
	(pc) =	sbr.rel @p0 .LBB2_1-.Ltmp2, $4  }
0x82: {  	[hbm4b:s6+s2] =	stream.linear.scatter [tilespmem:s13], [sflag:$0x2], $0x19000, $0x38;
	[tilespmem:$0x1B580] =	vst v63  }
0x83: {  	_ =	swait.ge [sflag:s8], $0x19000  }
0x84: {  	[sflag:s8] =	ssyncset.done $0x0  }
0x85: {  	[sflag:s8] =	ssyncadd.s32 $0xFFFE7000  }
0x86: {  	_ =	sfence.sel $0x180000  }
0x87: {  	[bflag:$0x0] =	sbarrier.arrive $0xFFFF  }
0x88: {  	p0 =	sne.s32 s0, $0x0;
	_ =	strace $0x90000047  }
0x89: {  	s0 =	sadd.s32 @!p0 $0x100000, s1;
	[bflag:$0x2] =	sbarrier.arrive $0xFFFF  }
0x8a: {  	[sflag:s0] =	ssyncadd.tile.s32 @!p0 $0x1;
	_ =	shalt  }
.Lfunc_end2:
_tile_overlayer_lowered:
.L_overlay_start_2:
0x8b: {  	(tag) =	ssettag $0x2  }
0x8c: {  	s0 =	rddreg [dreg:$0x0];
	s2 =	stileid.u32  }
0x8d: {  	s1 =	rddreg [dreg:$0x1];
	p0 =	sne.s32 s2, $0x0  }
0x8e: {  	s3 =	rddreg [dreg:$0x2];
	[bflag:$0x3] =	sbarrier.arrive $0xFFFF;
	s2 =	simm.s32 @!p0 $0x1C02  }
0x8f: {  	[timem:s3], [sflag:s2] =	dma.local @!p0 [hbm:s0], s1  }
0x90: {  	s0 =	simm.s32 @!p0 $0x2  }
0x91: {  	_ =	swait.ge @!p0 [sflag:s0], s1  }
0x92: {  	s1 =	ssub.s32 @!p0 $0x0, s1;
	[sflag:s0] =	ssyncset.done @!p0 $0x0  }
0x93: {  	[sflag:s0] =	ssyncadd.s32 @!p0 s1  }
0x94: {  	[bflag:$0x3] =	sbarrier.arrive $0xFFFF  }
0x95: {  	_ =	shalt  }

</sc_bundles>
